<compile_context>
chip_gen: v7x
topology: tpu7x:2x2x1
jax: 0.10.2.dev20260603
libtpu: 0.0.44.dev20260713+nightly
codegen_flags: <defaults>
</compile_context>

<pallas_src>
import functools

import jax
import jax.numpy as jnp
from jax import lax
from jax.experimental import pallas as pl
from jax.experimental.pallas import tpu as pltpu
from jax.experimental.pallas import tpu_sc as plsc

_L = 16
_B = 512
_NW = 32


def _sc_auc(predictions, labels, weights):
    T, N = predictions.shape
    mesh = plsc.VectorSubcoreMesh(core_axis_name="c", subcore_axis_name="s")

    @functools.partial(
        pl.kernel,
        mesh=mesh,
        compiler_params=pltpu.CompilerParams(
            needs_layout_passes=False,
            disable_bounds_checks=True,
            disable_semaphore_checks=True,
        ),
        out_type=jax.ShapeDtypeStruct((_NW, _L), jnp.float32),
        scratch_types=[
            pltpu.VMEM((N,), jnp.float32),
            pltpu.VMEM((N,), jnp.float32),
            pltpu.VMEM((N,), jnp.float32),
            pltpu.VMEM((2 * _B,), jnp.float32),
            pltpu.VMEM((_L,), jnp.float32),
            pltpu.SemaphoreType.DMA,
        ],
    )
    def k(pred_hbm, lab_hbm, wgt_hbm, out_hbm, pv, lv, wv, hist, outv, sem):
        wid = lax.axis_index("s") * 2 + lax.axis_index("c")

        @pl.when(wid < T)
        def _():
            cp = pltpu.async_copy(pred_hbm.at[wid], pv, sem)
            cl = pltpu.async_copy(lab_hbm.at[wid], lv, sem)
            cw = pltpu.async_copy(wgt_hbm.at[wid], wv, sem)

            zeros = jnp.zeros((_L,), jnp.float32)

            @plsc.parallel_loop(0, 2 * _B // _L, unroll=8)
            def _(i):
                hist[pl.ds(i * _L, _L)] = zeros

            cp.wait()
            cl.wait()
            cw.wait()

            @plsc.parallel_loop(0, N // _L, unroll=8)
            def _(i):
                o = i * _L
                p = pv[pl.ds(o, _L)]
                l = lv[pl.ds(o, _L)]
                w = wv[pl.ds(o, _L)]
                b = jnp.minimum((p * float(_B)).astype(jnp.int32), _B - 1)
                idx = l.astype(jnp.int32) * _B + b
                plsc.addupdate_scatter(hist, [idx], w)

            @plsc.parallel_loop(
                0, _B // _L, carry=(jnp.float32(0.0), zeros, zeros))
            def pass_carry(i, carry):
                run, acc, tfp = carry
                sfp = hist[pl.ds(i * _L, _L)]
                stp = hist[pl.ds(_B + i * _L, _L)]
                cs = plsc.cumsum(stp)
                acc = acc + sfp * (cs + run - 0.5 * stp)
                return (run + jnp.sum(stp), acc, tfp + sfp)

            tot_tp, acc, tfp_v = pass_carry
            tot_fp = jnp.sum(tfp_v)
            fac_b = jnp.full((_L,), tot_fp, jnp.float32) * jnp.full(
                (_L,), tot_tp, jnp.float32)
            trapz_b = fac_b - jnp.full((_L,), jnp.sum(acc), jnp.float32)
            res = jnp.where(fac_b == 0.0, jnp.float32(0.5), trapz_b / fac_b)
            outv[...] = res
            pltpu.sync_copy(outv, out_hbm.at[wid])

    return k(predictions, labels, weights)


def kernel(n_tasks, predictions, labels, weights):
    T, _ = predictions.shape
    out = _sc_auc(predictions, labels, weights)
    return out[:T, 0]

# --- scband reference (transcript-rebuilt; emitter-appended) ---
"""Pipeline reference for scband-batch-auc-jiterator-49847390437821 (READ-ONLY COPY).

The authoritative reference and input builder live on the scoring server;
editing this copy changes nothing except your own understanding.
"""

import jax, jax.numpy as jnp
import numpy as np


def setup_inputs(seed: int = 0) -> dict:
    key = jax.random.key(seed)
    k1, k2, k3 = jax.random.split(key, 3)
    n_tasks = 26
    N = 16384
    predictions = jax.random.uniform(k1, (n_tasks, N), dtype=jnp.float32)
    labels = jax.random.randint(k2, (n_tasks, N), 0, 2).astype(jnp.float32)
    weights = jax.random.uniform(k3, (n_tasks, N), dtype=jnp.float32)
    return {"n_tasks": n_tasks, "predictions": predictions, "labels": labels, "weights": weights}


def _trapz(y, x):
    # torch.trapz(y, x, dim=-1): sum of (x[i+1]-x[i]) * (y[i+1]+y[i]) / 2
    dx = x[:, 1:] - x[:, :-1]
    return jnp.sum(dx * (y[:, 1:] + y[:, :-1]) * 0.5, axis=-1)


def reference(n_tasks, predictions, labels, weights):
    # sort descending along last dim (torch.sort(descending=True))
    sorted_indices = jnp.argsort(-predictions, axis=-1)
    sorted_labels = jnp.take_along_axis(labels, sorted_indices, axis=-1)
    sorted_weights = jnp.take_along_axis(weights, sorted_indices, axis=-1)
    # jiterated fp/tp kernels: fp = w*(1-l), tp = w*l
    cum_fp = jnp.cumsum(sorted_weights * (1.0 - sorted_labels), axis=-1)
    cum_tp = jnp.cumsum(sorted_weights * sorted_labels, axis=-1)
    fac = cum_fp[:, -1] * cum_tp[:, -1]
    auc = jnp.where(fac == 0, jnp.float32(0.5), _trapz(cum_tp, cum_fp) / fac)
    return auc

if __name__ == "__main__":
    import jax
    _d = setup_inputs()
    print(jax.jit(kernel)(*tuple(_d.values())))

</pallas_src>

<mosaic_0001>
#map = affine_map<(d0, d1) -> (0, 0)>
module attributes {stable_mosaic.version = 14 : i64} {
  func.func @k(%arg0: i32, %arg1: i32, %arg2: memref<26x16384xf32, #tpu.memory_space<hbm>>, %arg3: memref<26x16384xf32, #tpu.memory_space<hbm>>, %arg4: memref<26x16384xf32, #tpu.memory_space<hbm>>, %arg5: memref<32x16xf32, #tpu.memory_space<hbm>>, %arg6: memref<16384xf32, #tpu.memory_space<vmem>>, %arg7: memref<16384xf32, #tpu.memory_space<vmem>>, %arg8: memref<16384xf32, #tpu.memory_space<vmem>>, %arg9: memref<1024xf32, #tpu.memory_space<vmem>>, %arg10: memref<16xf32, #tpu.memory_space<vmem>>, %arg11: memref<!tpu.dma_semaphore, #tpu.memory_space<semaphore_mem>>) attributes {dimension_semantics = [#tpu.dimension_semantics<core_parallel>, #tpu.dimension_semantics<subcore_parallel>], iteration_bounds = array<i64: 2, 16>, scalar_prefetch = 0 : i64, scratch_operands = 6 : i64, tpu.core_type = #tpu.core_type<sc_vector_subcore>, window_params = [{transform_indices = #map}, {transform_indices = #map}, {transform_indices = #map}, {transform_indices = #map}]} {
    %mul3A = arith.constant 2 : i32
    %mul3A_0 = arith.muli %arg1, %mul3A : i32
    %add3A = arith.addi %mul3A_0, %arg0 : i32
    %lt3A = arith.constant 26 : i32
    %lt3A_1 = arith.cmpi slt, %add3A, %lt3A : i32
    %convert_element_type3A = arith.extui %lt3A_1 : i1 to i32
    %cond3A = arith.constant 0 : i32
    %cond3A_2 = arith.cmpi ne, %convert_element_type3A, %cond3A : i32
    scf.if %cond3A_2 {
      %dma_start3A = arith.constant 0 : i32
      %dma_start3A_3 = tpu.memref_slice %arg2[%add3A, %dma_start3A] : memref<26x16384xf32, #tpu.memory_space<hbm>> -> memref<1x16384xf32, #tpu.memory_space<hbm>>
      %dma_start3A_4 = tpu.memref_squeeze %dma_start3A_3 : memref<1x16384xf32, #tpu.memory_space<hbm>> -> memref<16384xf32, #tpu.memory_space<hbm>>
      %dma_start3A_5 = arith.constant 0 : i32
      %dma_start3A_6 = tpu.memref_slice %arg2[%add3A, %dma_start3A_5] : memref<26x16384xf32, #tpu.memory_space<hbm>> -> memref<1x16384xf32, #tpu.memory_space<hbm>>
      %dma_start3A_7 = tpu.memref_squeeze %dma_start3A_6 : memref<1x16384xf32, #tpu.memory_space<hbm>> -> memref<16384xf32, #tpu.memory_space<hbm>>
      tpu.enqueue_dma source(%dma_start3A_7 : memref<16384xf32, #tpu.memory_space<hbm>>) target(%arg6 : memref<16384xf32, #tpu.memory_space<vmem>>) target_semaphore(%arg11 : memref<!tpu.dma_semaphore, #tpu.memory_space<semaphore_mem>>)
      %dma_start3A_8 = arith.constant 0 : i32
      %dma_start3A_9 = tpu.memref_slice %arg3[%add3A, %dma_start3A_8] : memref<26x16384xf32, #tpu.memory_space<hbm>> -> memref<1x16384xf32, #tpu.memory_space<hbm>>
      %dma_start3A_10 = tpu.memref_squeeze %dma_start3A_9 : memref<1x16384xf32, #tpu.memory_space<hbm>> -> memref<16384xf32, #tpu.memory_space<hbm>>
      %dma_start3A_11 = arith.constant 0 : i32
      %dma_start3A_12 = tpu.memref_slice %arg3[%add3A, %dma_start3A_11] : memref<26x16384xf32, #tpu.memory_space<hbm>> -> memref<1x16384xf32, #tpu.memory_space<hbm>>
      %dma_start3A_13 = tpu.memref_squeeze %dma_start3A_12 : memref<1x16384xf32, #tpu.memory_space<hbm>> -> memref<16384xf32, #tpu.memory_space<hbm>>
      tpu.enqueue_dma source(%dma_start3A_13 : memref<16384xf32, #tpu.memory_space<hbm>>) target(%arg7 : memref<16384xf32, #tpu.memory_space<vmem>>) target_semaphore(%arg11 : memref<!tpu.dma_semaphore, #tpu.memory_space<semaphore_mem>>)
      %dma_start3A_14 = arith.constant 0 : i32
      %dma_start3A_15 = tpu.memref_slice %arg4[%add3A, %dma_start3A_14] : memref<26x16384xf32, #tpu.memory_space<hbm>> -> memref<1x16384xf32, #tpu.memory_space<hbm>>
      %dma_start3A_16 = tpu.memref_squeeze %dma_start3A_15 : memref<1x16384xf32, #tpu.memory_space<hbm>> -> memref<16384xf32, #tpu.memory_space<hbm>>
      %dma_start3A_17 = arith.constant 0 : i32
      %dma_start3A_18 = tpu.memref_slice %arg4[%add3A, %dma_start3A_17] : memref<26x16384xf32, #tpu.memory_space<hbm>> -> memref<1x16384xf32, #tpu.memory_space<hbm>>
      %dma_start3A_19 = tpu.memref_squeeze %dma_start3A_18 : memref<1x16384xf32, #tpu.memory_space<hbm>> -> memref<16384xf32, #tpu.memory_space<hbm>>
      tpu.enqueue_dma source(%dma_start3A_19 : memref<16384xf32, #tpu.memory_space<hbm>>) target(%arg8 : memref<16384xf32, #tpu.memory_space<vmem>>) target_semaphore(%arg11 : memref<!tpu.dma_semaphore, #tpu.memory_space<semaphore_mem>>)
      %broadcast_in_dim3A = arith.constant 0.000000e+00 : f32
      %broadcast_in_dim3A_20 = vector.broadcast %broadcast_in_dim3A : f32 to vector<16xf32>
      %parallel_loop3A = arith.constant 0 : i32
      %parallel_loop3A_21 = arith.constant 64 : i32
      %parallel_loop3A_22 = arith.constant 1 : i32
      scf.for %parallel_loop3A_63 = %parallel_loop3A to %parallel_loop3A_21 step %parallel_loop3A_22  : i32 {
        %parallel_loop3A_64 = arith.constant 16 : i32
        %parallel_loop3A_65 = arith.muli %parallel_loop3A_63, %parallel_loop3A_64 : i32
        %parallel_loop3A_66 = arith.index_cast %parallel_loop3A_65 : i32 to index
        %parallel_loop3A_67 = tpu.vector_load %arg9[%parallel_loop3A_66] {strides = array<i32>} : memref<1024xf32, #tpu.memory_space<vmem>>, vector<16xf32>,
        tpu.vector_store %arg9[%parallel_loop3A_66], %broadcast_in_dim3A_20 {strides = array<i32>} : memref<1024xf32, #tpu.memory_space<vmem>>, vector<16xf32>,
      } {sc.loop_unroll_factor = 8 : i64, sc.parallel_access}
      %dma_wait3A = arith.constant 0 : i32
      %dma_wait3A_23 = tpu.memref_slice %arg2[%add3A, %dma_wait3A] : memref<26x16384xf32, #tpu.memory_space<hbm>> -> memref<1x16384xf32, #tpu.memory_space<hbm>>
      %dma_wait3A_24 = tpu.memref_squeeze %dma_wait3A_23 : memref<1x16384xf32, #tpu.memory_space<hbm>> -> memref<16384xf32, #tpu.memory_space<hbm>>
      %dma_wait3A_25 = arith.constant 0 : i32
      %dma_wait3A_26 = tpu.memref_slice %arg2[%add3A, %dma_wait3A_25] : memref<26x16384xf32, #tpu.memory_space<hbm>> -> memref<1x16384xf32, #tpu.memory_space<hbm>>
      %dma_wait3A_27 = tpu.memref_squeeze %dma_wait3A_26 : memref<1x16384xf32, #tpu.memory_space<hbm>> -> memref<16384xf32, #tpu.memory_space<hbm>>
      tpu.wait_dma2 semaphore(%arg11 : memref<!tpu.dma_semaphore, #tpu.memory_space<semaphore_mem>>) src(%dma_wait3A_27 : memref<16384xf32, #tpu.memory_space<hbm>>) dst(%arg6 : memref<16384xf32, #tpu.memory_space<vmem>>)
      %dma_wait3A_28 = arith.constant 0 : i32
      %dma_wait3A_29 = tpu.memref_slice %arg3[%add3A, %dma_wait3A_28] : memref<26x16384xf32, #tpu.memory_space<hbm>> -> memref<1x16384xf32, #tpu.memory_space<hbm>>
      %dma_wait3A_30 = tpu.memref_squeeze %dma_wait3A_29 : memref<1x16384xf32, #tpu.memory_space<hbm>> -> memref<16384xf32, #tpu.memory_space<hbm>>
      %dma_wait3A_31 = arith.constant 0 : i32
      %dma_wait3A_32 = tpu.memref_slice %arg3[%add3A, %dma_wait3A_31] : memref<26x16384xf32, #tpu.memory_space<hbm>> -> memref<1x16384xf32, #tpu.memory_space<hbm>>
      %dma_wait3A_33 = tpu.memref_squeeze %dma_wait3A_32 : memref<1x16384xf32, #tpu.memory_space<hbm>> -> memref<16384xf32, #tpu.memory_space<hbm>>
      tpu.wait_dma2 semaphore(%arg11 : memref<!tpu.dma_semaphore, #tpu.memory_space<semaphore_mem>>) src(%dma_wait3A_33 : memref<16384xf32, #tpu.memory_space<hbm>>) dst(%arg7 : memref<16384xf32, #tpu.memory_space<vmem>>)
      %dma_wait3A_34 = arith.constant 0 : i32
      %dma_wait3A_35 = tpu.memref_slice %arg4[%add3A, %dma_wait3A_34] : memref<26x16384xf32, #tpu.memory_space<hbm>> -> memref<1x16384xf32, #tpu.memory_space<hbm>>
      %dma_wait3A_36 = tpu.memref_squeeze %dma_wait3A_35 : memref<1x16384xf32, #tpu.memory_space<hbm>> -> memref<16384xf32, #tpu.memory_space<hbm>>
      %dma_wait3A_37 = arith.constant 0 : i32
      %dma_wait3A_38 = tpu.memref_slice %arg4[%add3A, %dma_wait3A_37] : memref<26x16384xf32, #tpu.memory_space<hbm>> -> memref<1x16384xf32, #tpu.memory_space<hbm>>
      %dma_wait3A_39 = tpu.memref_squeeze %dma_wait3A_38 : memref<1x16384xf32, #tpu.memory_space<hbm>> -> memref<16384xf32, #tpu.memory_space<hbm>>
      tpu.wait_dma2 semaphore(%arg11 : memref<!tpu.dma_semaphore, #tpu.memory_space<semaphore_mem>>) src(%dma_wait3A_39 : memref<16384xf32, #tpu.memory_space<hbm>>) dst(%arg8 : memref<16384xf32, #tpu.memory_space<vmem>>)
      %parallel_loop3A_40 = arith.constant 0 : i32
      %parallel_loop3A_41 = arith.constant 1024 : i32
      %parallel_loop3A_42 = arith.constant 1 : i32
      scf.for %parallel_loop3A_63 = %parallel_loop3A_40 to %parallel_loop3A_41 step %parallel_loop3A_42  : i32 {
        %parallel_loop3A_64 = arith.constant 16 : i32
        %parallel_loop3A_65 = arith.muli %parallel_loop3A_63, %parallel_loop3A_64 : i32
        %parallel_loop3A_66 = arith.index_cast %parallel_loop3A_65 : i32 to index
        %parallel_loop3A_67 = tpu.vector_load %arg6[%parallel_loop3A_66] {strides = array<i32>} : memref<16384xf32, #tpu.memory_space<vmem>>, vector<16xf32>,
        %parallel_loop3A_68 = arith.index_cast %parallel_loop3A_65 : i32 to index
        %parallel_loop3A_69 = tpu.vector_load %arg7[%parallel_loop3A_68] {strides = array<i32>} : memref<16384xf32, #tpu.memory_space<vmem>>, vector<16xf32>,
        %parallel_loop3A_70 = arith.index_cast %parallel_loop3A_65 : i32 to index
        %parallel_loop3A_71 = tpu.vector_load %arg8[%parallel_loop3A_70] {strides = array<i32>} : memref<16384xf32, #tpu.memory_space<vmem>>, vector<16xf32>,
        %parallel_loop3A_72 = arith.constant 5.120000e+02 : f32
        %parallel_loop3A_73 = vector.broadcast %parallel_loop3A_72 : f32 to vector<16xf32>
        %parallel_loop3A_74 = arith.mulf %parallel_loop3A_67, %parallel_loop3A_73 : vector<16xf32>
        %parallel_loop3A_75 = arith.fptosi %parallel_loop3A_74 : vector<16xf32> to vector<16xi32>
        %parallel_loop3A_76 = arith.constant 511 : i32
        %parallel_loop3A_77 = vector.broadcast %parallel_loop3A_76 : i32 to vector<16xi32>
        %parallel_loop3A_78 = arith.minsi %parallel_loop3A_75, %parallel_loop3A_77 : vector<16xi32>
        %parallel_loop3A_79 = arith.fptosi %parallel_loop3A_69 : vector<16xf32> to vector<16xi32>
        %parallel_loop3A_80 = arith.constant 512 : i32
        %parallel_loop3A_81 = vector.broadcast %parallel_loop3A_80 : i32 to vector<16xi32>
        %parallel_loop3A_82 = arith.muli %parallel_loop3A_79, %parallel_loop3A_81 : vector<16xi32>
        %parallel_loop3A_83 = arith.addi %parallel_loop3A_82, %parallel_loop3A_78 : vector<16xi32>
        tpu.vector_store_idx %arg9[%parallel_loop3A_83], %parallel_loop3A_71 {add = true} : memref<1024xf32, #tpu.memory_space<vmem>>[vector<16xi32>], vector<16xf32>,
      } {sc.loop_unroll_factor = 8 : i64, sc.parallel_access}
      %parallel_loop3A_43 = arith.constant 0 : i32
      %parallel_loop3A_44 = arith.constant 32 : i32
      %parallel_loop3A_45 = arith.constant 1 : i32
      %parallel_loop3A_46 = arith.constant 0.000000e+00 : f32
      %parallel_loop3A_47:3 = scf.for %parallel_loop3A_63 = %parallel_loop3A_43 to %parallel_loop3A_44 step %parallel_loop3A_45 iter_args(%parallel_loop3A_64 = %parallel_loop3A_46, %parallel_loop3A_65 = %broadcast_in_dim3A_20, %parallel_loop3A_66 = %broadcast_in_dim3A_20) -> (f32, vector<16xf32>, vector<16xf32>)  : i32 {
        %parallel_loop3A_67 = arith.constant 16 : i32
        %parallel_loop3A_68 = arith.muli %parallel_loop3A_63, %parallel_loop3A_67 : i32
        %parallel_loop3A_69 = arith.index_cast %parallel_loop3A_68 : i32 to index
        %parallel_loop3A_70 = tpu.vector_load %arg9[%parallel_loop3A_69] {strides = array<i32>} : memref<1024xf32, #tpu.memory_space<vmem>>, vector<16xf32>,
        %parallel_loop3A_71 = arith.constant 16 : i32
        %parallel_loop3A_72 = arith.muli %parallel_loop3A_63, %parallel_loop3A_71 : i32
        %parallel_loop3A_73 = arith.constant 512 : i32
        %parallel_loop3A_74 = arith.addi %parallel_loop3A_73, %parallel_loop3A_72 : i32
        %parallel_loop3A_75 = arith.index_cast %parallel_loop3A_74 : i32 to index
        %parallel_loop3A_76 = tpu.vector_load %arg9[%parallel_loop3A_75] {strides = array<i32>} : memref<1024xf32, #tpu.memory_space<vmem>>, vector<16xf32>,
        %parallel_loop3A_77 = arith.constant true
        %parallel_loop3A_78 = vector.broadcast %parallel_loop3A_77 : i1 to vector<16xi1>
        %parallel_loop3A_79 = tpu.scan <sum>, %parallel_loop3A_76 masked %parallel_loop3A_78 : vector<16xf32>, vector<16xi1> -> vector<16xf32>
        %parallel_loop3A_80 = vector.broadcast %parallel_loop3A_64 : f32 to vector<16xf32>
        %parallel_loop3A_81 = arith.addf %parallel_loop3A_79, %parallel_loop3A_80 : vector<16xf32>
        %parallel_loop3A_82 = arith.constant 5.000000e-01 : f32
        %parallel_loop3A_83 = vector.broadcast %parallel_loop3A_82 : f32 to vector<16xf32>
        %parallel_loop3A_84 = arith.mulf %parallel_loop3A_83, %parallel_loop3A_76 : vector<16xf32>
        %parallel_loop3A_85 = arith.subf %parallel_loop3A_81, %parallel_loop3A_84 : vector<16xf32>
        %parallel_loop3A_86 = arith.mulf %parallel_loop3A_70, %parallel_loop3A_85 : vector<16xf32>
        %parallel_loop3A_87 = arith.addf %parallel_loop3A_65, %parallel_loop3A_86 : vector<16xf32>
        %parallel_loop3A_88 = arith.constant true
        %parallel_loop3A_89 = vector.broadcast %parallel_loop3A_88 : i1 to vector<16xi1>
        %parallel_loop3A_90 = tpu.scan <sum>, %parallel_loop3A_76 masked %parallel_loop3A_89 : vector<16xf32>, vector<16xi1> -> vector<16xf32>
        %parallel_loop3A_91 = vector.extract %parallel_loop3A_90[15] : f32 from vector<16xf32>
        %parallel_loop3A_92 = arith.addf %parallel_loop3A_64, %parallel_loop3A_91 : f32
        %parallel_loop3A_93 = arith.addf %parallel_loop3A_66, %parallel_loop3A_70 : vector<16xf32>
        scf.yield %parallel_loop3A_92, %parallel_loop3A_87, %parallel_loop3A_93 : f32, vector<16xf32>, vector<16xf32>
      } {sc.loop_unroll_factor = 1 : i64, sc.parallel_access}
      %reduce_sum3A = arith.constant true
      %reduce_sum3A_48 = vector.broadcast %reduce_sum3A : i1 to vector<16xi1>
      %reduce_sum3A_49 = tpu.scan <sum>, %parallel_loop3A_47#2 masked %reduce_sum3A_48 : vector<16xf32>, vector<16xi1> -> vector<16xf32>
      %reduce_sum3A_50 = vector.extract %reduce_sum3A_49[15] : f32 from vector<16xf32>
      %broadcast_in_dim3A_51 = vector.broadcast %reduce_sum3A_50 : f32 to vector<16xf32>
      %broadcast_in_dim3A_52 = vector.broadcast %parallel_loop3A_47#0 : f32 to vector<16xf32>
      %mul3A_53 = arith.mulf %broadcast_in_dim3A_51, %broadcast_in_dim3A_52 : vector<16xf32>
      %reduce_sum3A_54 = arith.constant true
      %reduce_sum3A_55 = vector.broadcast %reduce_sum3A_54 : i1 to vector<16xi1>
      %reduce_sum3A_56 = tpu.scan <sum>, %parallel_loop3A_47#1 masked %reduce_sum3A_55 : vector<16xf32>, vector<16xi1> -> vector<16xf32>
      %reduce_sum3A_57 = vector.extract %reduce_sum3A_56[15] : f32 from vector<16xf32>
      %broadcast_in_dim3A_58 = vector.broadcast %reduce_sum3A_57 : f32 to vector<16xf32>
      %sub3A = arith.subf %mul3A_53, %broadcast_in_dim3A_58 : vector<16xf32>
      %eq3A = arith.constant 0.000000e+00 : f32
      %eq3A_59 = vector.broadcast %eq3A : f32 to vector<16xf32>
      %eq3A_60 = arith.cmpf oeq, %mul3A_53, %eq3A_59 : vector<16xf32>
      %div3A = arith.divf %sub3A, %mul3A_53 : vector<16xf32>
      %jit3A = arith.constant 5.000000e-01 : f32
      %broadcast_in_dim3A_61 = vector.broadcast %jit3A : f32 to vector<16xf32>
      %select_n3A = arith.select %eq3A_60, %broadcast_in_dim3A_61, %div3A : vector<16xi1>, vector<16xf32>
      %swap3A = arith.constant 0 : index
      %swap3A_62 = tpu.vector_load %arg10[%swap3A] {strides = array<i32>} : memref<16xf32, #tpu.memory_space<vmem>>, vector<16xf32>,
      tpu.vector_store %arg10[%swap3A], %select_n3A {strides = array<i32>} : memref<16xf32, #tpu.memory_space<vmem>>, vector<16xf32>,
      "tpu.region"() ({
        %run_scoped3A = tpu.sem_alloc : memref<!tpu.dma_semaphore, #tpu.memory_space<semaphore_mem>>
        %dma_start3A_63 = arith.constant 0 : i32
        %dma_start3A_64 = tpu.memref_slice %arg5[%add3A, %dma_start3A_63] : memref<32x16xf32, #tpu.memory_space<hbm>> -> memref<1x16xf32, #tpu.memory_space<hbm>>
        %dma_start3A_65 = tpu.memref_squeeze %dma_start3A_64 : memref<1x16xf32, #tpu.memory_space<hbm>> -> memref<16xf32, #tpu.memory_space<hbm>>
        %dma_start3A_66 = arith.constant 0 : i32
        %dma_start3A_67 = tpu.memref_slice %arg5[%add3A, %dma_start3A_66] : memref<32x16xf32, #tpu.memory_space<hbm>> -> memref<1x16xf32, #tpu.memory_space<hbm>>
        %dma_start3A_68 = tpu.memref_squeeze %dma_start3A_67 : memref<1x16xf32, #tpu.memory_space<hbm>> -> memref<16xf32, #tpu.memory_space<hbm>>
        tpu.enqueue_dma source(%arg10 : memref<16xf32, #tpu.memory_space<vmem>>) target(%dma_start3A_68 : memref<16xf32, #tpu.memory_space<hbm>>) target_semaphore(%run_scoped3A : memref<!tpu.dma_semaphore, #tpu.memory_space<semaphore_mem>>)
        %dma_wait3A_69 = arith.constant 0 : i32
        %dma_wait3A_70 = tpu.memref_slice %arg5[%add3A, %dma_wait3A_69] : memref<32x16xf32, #tpu.memory_space<hbm>> -> memref<1x16xf32, #tpu.memory_space<hbm>>
        %dma_wait3A_71 = tpu.memref_squeeze %dma_wait3A_70 : memref<1x16xf32, #tpu.memory_space<hbm>> -> memref<16xf32, #tpu.memory_space<hbm>>
        %dma_wait3A_72 = arith.constant 0 : i32
        %dma_wait3A_73 = tpu.memref_slice %arg5[%add3A, %dma_wait3A_72] : memref<32x16xf32, #tpu.memory_space<hbm>> -> memref<1x16xf32, #tpu.memory_space<hbm>>
        %dma_wait3A_74 = tpu.memref_squeeze %dma_wait3A_73 : memref<1x16xf32, #tpu.memory_space<hbm>> -> memref<16xf32, #tpu.memory_space<hbm>>
        tpu.wait_dma2 semaphore(%run_scoped3A : memref<!tpu.dma_semaphore, #tpu.memory_space<semaphore_mem>>) src(%arg10 : memref<16xf32, #tpu.memory_space<vmem>>) dst(%dma_wait3A_74 : memref<16xf32, #tpu.memory_space<hbm>>)
        tpu.yield
      }) : () -> ()
    } else {
    }
    return
  }
}

</mosaic_0001>

<sc_bundles>
// kernel: kernel.3.cloned.1.call-start
scs
__scs_entry_jumppad:
0x0: {  	(pc) =	sbr.rel $0x88, $3  }
0x1: {  	(tag) =	ssettag $0x0;
	lr =	simm.s32 $0x1  }
0x2: {  	[smem:$0x3F9E] =	sst lr;
	_ =	strace $0xD0000000  }
0x3: {  	_ = 	snop  }
0x4: {  	_ = 	snop  }
0x5: {  	_ = 	snop  }
0x6: {  	_ = 	snop  }
0x7: {  	_ = 	snop  }
__scs_overlays_trampoline_lowered:
0x8: {  	[smem:$0x3FAD] =	sst s0  }
0x9: {  	[smem:$0x3FAE] =	sst s1  }
0xa: {  	[smem:$0x3FAF] =	sst s2  }
0xb: {  	[smem:$0x3FB0] =	sst s3  }
0xc: {  	[smem:$0x3FB1] =	sst s4  }
0xd: {  	[smem:$0x3FB2] =	sst s5  }
0xe: {  	[smem:$0x3FB3] =	sst s6  }
0xf: {  	[smem:$0x3FB4] =	sst s7  }
0x10: {  	[smem:$0x3FB5] =	sst s8  }
0x11: {  	[smem:$0x3FB6] =	sst s9;
	s0 =	simm.s32 @!p0 $0x0  }
0x12: {  	s1 =	sld [smem:$0x3F9C];
	s0 =	simm.s32 @p0 $0x1  }
0x13: {  	[smem:$0x3FB7] =	sst s0;
	s0 =	simm.s32 @!p1 $0x0  }
0x14: {  	s2 =	sld [smem:$0x3F9B];
	s0 =	simm.s32 @p1 $0x1  }
0x15: {  	[smem:$0x3FB8] =	sst s0;
	s0 =	simm.s32 @!p2 $0x0  }
0x16: {  	s3 =	sld [smem:$0x3FDB];
	s0 =	simm.s32 @p2 $0x1  }
0x17: {  	s4 =	simm.s32 $0x1BF5;
	[smem:$0x3FBA] =	sst s0  }
0x18: {  	s0 =	sld [smem:$0x3F9D];
	_ =	swait.ge [sflag:s4], $0x0  }
0x19: {  	s7 =	sld [smem:$0x3F9E]  }
0x1a: {  	s8 =	sadd.s32 $0xFFFFE003, lr  }
0x1b: {  	s9 =	sadd.s32 $0xFFFFFEF7, lr;
	s5 =	simm.s32 $0xFFFFFFFF;
	p2 =	slt.u32 s8, $0xFFFFF086  }
0x1c: {  	p1 =	slt.u32 s9, $0xF7A;
	s5 =	simm.s32 @!p2 $0x0  }
0x1d: {  	s5 =	simm.s32 @p1 $0x1;
	p0 =	seq.s32 s7, s2  }
0x1e: {  	s7 =	smul.u32 @!p0 $0xF7A, s2;
	p2 =	seq.s32 @!p0 s5, $0x0  }
0x1f: {  	s9 =	smul.u32 $0xF7A, s1;
	s8 =	simm.s32 @!p0 $0x1BF5;
	p2 =	por !p2, p0  }
0x20: {  	[sflag:s8] =	ssyncset.s32 @!p0 $0xFFFFF086;
	s6 =	sadd.s32 @!p0 s3, s7;
	s7 =	simm.s32 @!p0 $0x108  }
0x21: {  	s3 =	sadd.s32 s3, s9;
	s6 =	sadd.s32 @!p0 $0x88, s6;
	s7 =	simm.s32 @p2 $0x1082  }
0x22: {  	[simem:s7], [sflag:s8] =	dma.local @!p0 [hbm:s6], $0xF7A  }
0x23: {  	s9 =	sor.u32 $0xD0000000, s2;
	s6 =	simm.s32 $0x108;
	_ =	swait.ge @!p0 [sflag:s8], $0x0  }
0x24: {  	s3 =	sadd.s32 $0x88, s3;
	s6 =	simm.s32 @!p1 $0x1082;
	[sflag:s4] =	ssyncset.s32 $0xFFFFF086  }
0x25: {  	[simem:s6], [sflag:s4] =	dma.local [hbm:s3], $0xF7A  }
0x26: {  	[smem:$0x3F9E] =	sst s1;
	(tag) =	ssettag s2;
	_ =	strace s9  }
0x27: {  	s1 =	sld [smem:$0x3FAE]  }
0x28: {  	s2 =	sld [smem:$0x3FAF]  }
0x29: {  	s4 =	sld [smem:$0x3FB1]  }
0x2a: {  	p0 =	seq.s32 s5, $0x0;
	s5 =	sld [smem:$0x3FB2]  }
0x2b: {  	s6 =	sld [smem:$0x3FB3]  }
0x2c: {  	s7 =	sld [smem:$0x3FB4]  }
0x2d: {  	s3 =	simm.s32 $0x108;
	s8 =	sld [smem:$0x3FB5]  }
0x2e: {  	s3 =	simm.s32 @!p0 $0x1082;
	s9 =	sld [smem:$0x3FB6]  }
0x2f: {  	lr =	sadd.s32 s0, s3;
	s0 =	sld [smem:$0x3FAD]  }
0x30: {  	s3 =	sld [smem:$0x3FB0]  }
0x31: {  	[smem:$0x3FB9] =	sst s10  }
0x32: {  	s10 =	sld [smem:$0x3FB7];
	_ =	sdelay $0x3  }
0x33: {  	p0 =	seq.s32 s10, $0x1;
	s10 =	sld [smem:$0x3FB9];
	_ =	sdelay $0x3  }
0x34: {  	[smem:$0x3FB9] =	sst s10  }
0x35: {  	s10 =	sld [smem:$0x3FB8];
	_ =	sdelay $0x3  }
0x36: {  	p1 =	seq.s32 s10, $0x1;
	s10 =	sld [smem:$0x3FB9];
	_ =	sdelay $0x3  }
0x37: {  	[smem:$0x3FB9] =	sst s10  }
0x38: {  	s10 =	sld [smem:$0x3FBA]  }
0x39: {  	_ = 	snop;
	(pc) =	sbr.ind lr, $3  }
0x3a: {  	_ = 	snop  }
0x3b: {  	_ = 	snop  }
0x3c: {  	p2 =	seq.s32 s10, $0x1;
	s10 =	sld [smem:$0x3FB9]  }
0x3d: {  	_ =	shalt  }
0x3e: {  	_ =	shalt  }
0x3f: {  	_ =	shalt  }
0x40: {  	_ =	shalt  }
0x41: {  	_ =	shalt  }
0x42: {  	_ =	shalt  }
0x43: {  	_ =	shalt  }
0x44: {  	_ =	shalt  }
0x45: {  	_ =	shalt  }
0x46: {  	_ =	shalt  }
0x47: {  	_ =	shalt  }
0x48: {  	_ =	shalt  }
0x49: {  	_ =	shalt  }
0x4a: {  	_ =	shalt  }
0x4b: {  	_ =	shalt  }
0x4c: {  	_ =	shalt  }
0x4d: {  	_ =	shalt  }
0x4e: {  	_ =	shalt  }
0x4f: {  	_ =	shalt  }
0x50: {  	_ =	shalt  }
0x51: {  	_ =	shalt  }
0x52: {  	_ =	shalt  }
0x53: {  	_ =	shalt  }
0x54: {  	_ =	shalt  }
0x55: {  	_ =	shalt  }
0x56: {  	_ =	shalt  }
0x57: {  	_ =	shalt  }
0x58: {  	_ =	shalt  }
0x59: {  	_ =	shalt  }
0x5a: {  	_ =	shalt  }
0x5b: {  	_ =	shalt  }
0x5c: {  	_ =	shalt  }
0x5d: {  	_ =	shalt  }
0x5e: {  	_ =	shalt  }
0x5f: {  	_ =	shalt  }
0x60: {  	_ =	shalt  }
0x61: {  	_ =	shalt  }
0x62: {  	_ =	shalt  }
0x63: {  	_ =	shalt  }
0x64: {  	_ =	shalt  }
0x65: {  	_ =	shalt  }
0x66: {  	_ =	shalt  }
0x67: {  	_ =	shalt  }
0x68: {  	_ =	shalt  }
0x69: {  	_ =	shalt  }
0x6a: {  	_ =	shalt  }
0x6b: {  	_ =	shalt  }
0x6c: {  	_ =	shalt  }
0x6d: {  	_ =	shalt  }
0x6e: {  	_ =	shalt  }
0x6f: {  	_ =	shalt  }
0x70: {  	_ =	shalt  }
0x71: {  	_ =	shalt  }
0x72: {  	_ =	shalt  }
0x73: {  	_ =	shalt  }
0x74: {  	_ =	shalt  }
0x75: {  	_ =	shalt  }
0x76: {  	_ =	shalt  }
0x77: {  	_ =	shalt  }
0x78: {  	_ =	shalt  }
0x79: {  	_ =	shalt  }
0x7a: {  	_ =	shalt  }
0x7b: {  	_ =	shalt  }
0x7c: {  	_ =	shalt  }
0x7d: {  	_ =	shalt  }
0x7e: {  	_ =	shalt  }
0x7f: {  	_ =	shalt  }
0x80: {  	_ =	shalt  }
0x81: {  	_ =	shalt  }
0x82: {  	_ =	shalt  }
0x83: {  	_ =	shalt  }
0x84: {  	_ =	shalt  }
0x85: {  	_ =	shalt  }
0x86: {  	_ =	shalt  }
0x87: {  	_ =	shalt  }
.Lfunc_end0:
.L_simem_size_0:
called_computation_lowered:
.L_overlay_start_0:
0x88: {  	s2 =	sld [smem:$0x3FD9]  }
0x89: {  	s3 =	sld [smem:$0x3FFE];
	_ =	sdelay $0x1  }
0x8a: {  	s1 =	srdreg.scid  }
0x8b: {  	s0 =	sand.u32 $0x1, s1  }
0x8c: {  	s17 =	sshll.u32 s0, $0xA;
	s2 =	sadd.s32 s3, s2  }
0x8d: {  	s2 =	sadd.s32 s2, s17  }
0x8e: {  	[smem:$0x3FC5] =	sst s2  }
0x8f: {  	_ = 	snop  }
0x90: {  	s2 =	sld [smem:$0x3FC9]  }
0x91: {  	s18 =	sld [smem:$0x3FC8]  }
0x92: {  	s4 =	sld [smem:$0x3FC7];
	(tm) =	ssettm $0x1  }
0x93: {  	s5 =	sld [smem:$0x3FFB];
	_ =	sdelay $0x3  }
0x94: {  	_ =	strace s5  }
0x95: {  	s5 =	sld [smem:$0x3FFC];
	_ =	sdelay $0x3  }
0x96: {  	_ =	strace s5  }
0x97: {  	s5 =	sld [smem:$0x3FFD];
	_ =	sdelay $0x3  }
0x98: {  	_ =	strace s5  }
0x99: {  	_ =	strace $0x8FFFFFFF  }
0x9a: {  	s19 =	sld [smem:$0x3FDB];
	_ =	sdelay $0x1  }
0x9b: {  	s6 =	simm.s32 $_scs_section_size  }
0x9c: {  	s7 =	simm.s32 $_size__tile_overlayer_lowered;
	s8 =	simm.s32 $_tile_overlayer_lowered  }
0x9d: {  	s22 =	simm.s32 $0x1BFF;
	s21 =	sshll.u32 s8, $0x1;
	s5 =	sadd.s32 s6, s19  }
0x9e: {  	s9 =	simm.s32 $0x0;
	s20 =	sshll.u32 s7, $0x1;
	s7 =	sadd.s32 s21, s5  }
0x9f: {  	[timem:s9], [sflag:s22] =	dma.local [hbm:s7], s20  }
0xa0: {  	_ =	swait.ge [sflag:s22], s20  }
0xa1: {  	s6 =	ssub.s32 $0x0, s20;
	[sflag:s22] =	ssyncset.done $0x0  }
0xa2: {  	[sflag:s22] =	ssyncadd.s32 s6;
	_ =	sdelay $0x1  }
0xa3: {  	s23 =	simm.s32 $0x1B8B  }
0xa4: {  	_ =	swait.ge [sflag:s23], $0x1  }
0xa5: {  	[sflag:s23] =	ssyncset.done $0x0  }
0xa6: {  	s25 =	simm.s32 $0x1B8E;
	s24 =	sld [smem:$0x3FFE];
	[sflag:s23] =	ssyncadd.s32 $0xFFFFFFFF  }
0xa7: {  	s26 =	simm.s32 $execute0_lowered;
	[smem:$0x3FD2] =	sst s25  }
0xa8: {  	s7 =	sshll.u32 s26, $0x1;
	_ =	strace $0x80000046;
	[dreg:$0x1] =	wrdreg $0xFFFFFFFF  }
0xa9: {  	s28 =	simm.s32 $_size_execute0_lowered;
	s5 =	sadd.s32 s5, s7;
	[dreg:$0x0] =	wrdreg $0x0  }
0xaa: {  	s7 =	sshll.u32 s28, $0x1;
	[dreg:$0x2] =	wrdreg s5  }
0xab: {  	[dreg:$0x3] =	wrdreg s7  }
0xac: {  	[dreg:$0x4] =	wrdreg $0xC0  }
0xad: {  	_ =	task [dreg:s9], $0x5FFFF  }
0xae: {  	[dreg:$0x1] =	wrdreg $0xFFFFFFFF  }
0xaf: {  	[dreg:$0x0] =	wrdreg $0x60  }
0xb0: {  	[dreg:$0x2] =	wrdreg s2  }
0xb1: {  	[dreg:$0x3] =	wrdreg s18  }
0xb2: {  	[dreg:$0x4] =	wrdreg s4  }
0xb3: {  	[dreg:$0x5] =	wrdreg s24  }
0xb4: {  	[dreg:$0x6] =	wrdreg $0x9  }
0xb5: {  	_ =	task.clear_ibuf [dreg:s9], $0x7FFFF;
	_ =	strace $0x90000046  }
0xb6: {  	s29 =	simm.s32 $0x9;
	_ =	strace $0x80000048  }
0xb7: {  	_ =	swait.ge [sflag:s29], $0x1  }
0xb8: {  	[sflag:s29] =	ssyncadd.s32 $0xFFFFFFFF  }
0xb9: {  	_ =	strace $0x90000048  }
0xba: {  	_ =	sfence  }
0xbb: {  	s30 =	sld [smem:$0x0];
	_ =	sdelay $0x2  }
0xbc: {  	s31 =	sshll.u32 s1, $0xD;
	s1 =	sshrl.u32 s1, $0x2  }
0xbd: {  	s3 =	sand.u32 $0x4000, s31;
	s1 =	sadd.s32 s1, s30  }
0xbe: {  	s0 =	sor.u32 s3, s0;
	s1 =	sshll.u32 s1, $0x11  }
0xbf: {  	s0 =	sor.u32 s1, s0  }
0xc0: {  	s0 =	sadd.s32 $0x8F2B, s0  }
0xc1: {  	[sflag:s0] =	ssyncadd.remote.s32 $0x1  }
0xc2: {  	_ =	sfence.sel $0xFFFF  }
0xc3: {  	[dreg:$0x0] =	wrdreg $0xFFFFFFFF;
	(pc) =	sbr.abs _section_cstart, $3  }
0xc4: {  	[dreg:$0x1] =	wrdreg $0xFFFFFFFF  }
0xc5: {  	_ =	task.clear_ibuf [dreg:s9], $0x2FFFF;
	_ =	strace $0x9FFFFFFF  }
0xc6: {  	(tm) =	ssettm $0x7FFFFFFF  }
0xc7: {  	_ =	shalt  }
tec
execute0_lowered:
.L_overlay_start_1:
0x0: {  	(tag) =	ssettag $0x1  }
0x1: {  	s1 =	stileid.u32  }
0x2: {  	s6 =	rddreg [dreg:$0x0];
	p0 =	sgt.u32 s1, $0xC  }
.Ltmp0:
0x3: {  	s5 =	rddreg [dreg:$0x1];
	(pc) =	sbr.rel @p0 .LBB2_9-.Ltmp0, $4  }
0x4: {  	s4 =	rddreg [dreg:$0x2]  }
0x5: {  	s3 =	rddreg [dreg:$0x3];
	s2 =	simm.s32 $0x0  }
0x6: {  	[smem:$0x7FF] =	sst s2  }
0x7: {  	s0 =	rddreg [dreg:$0x4];
	_ =	strace $0x80000047  }
0x8: {  	s7 =	srdreg.scid;
	s8 =	sshll.u32 s1, $0x8;
	s9 =	sshrl.u32 s1, $0x2  }
0x9: {  	s12 =	simm.s32 $0x1;
	s13 =	simm.s32 $0xC400;
	s14 =	simm.s32 $0x2  }
0xa: {  	s15 =	simm.s32 $0x0;
	s22 =	simm.s32 $0x0;
	s7 =	sand.u32 $0x1, s7  }
0xb: {  	s8 =	sand.u32 $0x300, s8;
	s31 =	sshll.u32 s9, $0xA;
	s10 =	sshll.u32 s7, $0x7  }
0xc: {  	s9 =	sshll.u32 s9, $0x11;
	s7 =	ssub.s32 $0x2, s7;
	s8 =	sor.u32 s10, s8  }
0xd: {  	s11 =	sshrl.u32 s7, $0x1;
	s10 =	sor.u32 s31, s8;
	s8 =	sor.u32 s9, s8  }
0xe: {  	s7 =	ssub.s32 s7, s11;
	s9 =	simm.s32 $0x400;
	s11 =	simm.s32 $0x8000  }
0xf: {  	s10 =	sshrl.u32 s10, $0x3;
	s8 =	sshrl.u32 s8, $0x3;
	s7 =	smax.u32 s7, $0x1  }
0x10: {  	s3 =	sadd.s32 s3, s10;
	s4 =	sadd.s32 s4, s8;
	s5 =	sadd.s32 s5, s8  }
0x11: {  	v0 =	vimm.f32 $0.0e+00;
	s6 =	sadd.s32 s6, s8;
	s8 =	simm.s32 $0x80;
	s10 =	simm.s32 $0x4000  }
.LBB2_2:
0x12: {  	[tilespmem:s2], [sflag:$0x1] =	stream.strided.gather [hbm4b:s6+s8], $0x4000, s9, s8, $0x38;
	[tilespmem:$0xC480] =	vst v63  }
0x13: {  	_ = 	snop  }
0x14: {  	[tilespmem:s10], [sflag:$0x1] =	stream.strided.gather [hbm4b:s5+s8], $0x4000, s9, s8, $0x38;
	[tilespmem:$0xC480] =	vst v63  }
0x15: {  	s16 =	simm.s32 $0xC040  }
0x16: {  	[tilespmem:s11], [sflag:$0x1] =	stream.strided.gather [hbm4b:s4+s8], $0x4000, s9, s8, $0x38;
	[tilespmem:$0xC480] =	vst v63  }
0x17: {  	[tilespmem:s16+$0xFFFFFFC0] =	vst v0  }
0x18: {  	[tilespmem:s16+$0x30] =	vst v0  }
0x19: {  	[tilespmem:s16+$0x20] =	vst v0  }
0x1a: {  	[tilespmem:s16+$0x10] =	vst v0  }
0x1b: {  	[tilespmem:s16+$0x0] =	vst v0  }
0x1c: {  	[tilespmem:s16+$0xFFFFFFF0] =	vst v0  }
0x1d: {  	s17 =	simm.s32 $0x0;
	[tilespmem:s16+$0xFFFFFFE0] =	vst v0  }
.LBB2_3:
0x1e: {  	s17 =	sadd.s32 $0x8, s17;
	[tilespmem:s16+$0xFFFFFFD0] =	vst v0;
	s16 =	sadd.s32 $0x80, s16  }
0x1f: {  	[tilespmem:s16+$0xFFFFFFC0] =	vst v0;
	p0 =	slt.u32 s17, $0x38  }
0x20: {  	[tilespmem:s16+$0x30] =	vst v0  }
.Ltmp1:
0x21: {  	[tilespmem:s16+$0x20] =	vst v0;
	(pc) =	sbr.rel @p0 .LBB2_3-.Ltmp1, $4  }
0x22: {  	[tilespmem:s16+$0x10] =	vst v0  }
0x23: {  	[tilespmem:s16+$0x0] =	vst v0  }
0x24: {  	[tilespmem:s16+$0xFFFFFFF0] =	vst v0  }
0x25: {  	[tilespmem:s16+$0xFFFFFFE0] =	vst v0  }
0x26: {  	[tilespmem:s16+$0xFFFFFFD0] =	vst v0  }
0x27: {  	_ =	swait.ge [sflag:s12], $0x4000  }
0x28: {  	[sflag:s12] =	ssyncset.done $0x0  }
0x29: {  	[sflag:s12] =	ssyncadd.s32 $0xFFFFC000  }
0x2a: {  	_ =	swait.ge [sflag:s12], $0x4000  }
0x2b: {  	[sflag:s12] =	ssyncset.done $0x0  }
0x2c: {  	[sflag:s12] =	ssyncadd.s32 $0xFFFFC000  }
0x2d: {  	_ =	swait.ge [sflag:s12], $0x4000  }
0x2e: {  	[sflag:s12] =	ssyncset.done $0x0  }
0x2f: {  	s19 =	simm.s32 $0x4040;
	[sflag:s12] =	ssyncadd.s32 $0xFFFFC000  }
0x30: {  	v1 =	vld [tilespmem:s19+$0x30]  }
0x31: {  	s16 =	simm.s32 $0x40;
	v2 =	vld [tilespmem:s19+$0xFFFFFFC0]  }
0x32: {  	v4 =	vld [tilespmem:s16+$0x30]  }
0x33: {  	v5 =	vld [tilespmem:s16+$0x20]  }
0x34: {  	v6 =	vld [tilespmem:s16+$0x10]  }
0x35: {  	v10 =	vld [tilespmem:s16+$0xFFFFFFE0]  }
0x36: {  	v12 =	vld [tilespmem:s19+$0x20]  }
0x37: {  	v8 =	vld [tilespmem:s16+$0x0]  }
0x38: {  	v3 =	vld [tilespmem:s16+$0xFFFFFFC0]  }
0x39: {  	v1 =	vtrunc.f32 v1;
	v4 =	vmul.f32 $5.120000000e+02, v4  }
0x3a: {  	v5 =	vmul.f32 $5.120000000e+02, v5;
	v6 =	vmul.f32 $5.120000000e+02, v6  }
0x3b: {  	v10 =	vmul.f32 $5.120000000e+02, v10;
	v12 =	vtrunc.f32 v12  }
0x3c: {  	v13 =	vld [tilespmem:s19+$0xFFFFFFD0];
	v16 =	vmul.f32 $5.120000000e+02, v8;
	v7 =	vcvt.f32.s32 v1  }
0x3d: {  	v1 =	vtrunc.f32 v2;
	v2 =	vmul.f32 $5.120000000e+02, v3  }
0x3e: {  	v9 =	vcvt.f32.s32 v1;
	v4 =	vtrunc.f32 v4  }
0x3f: {  	v3 =	vld [tilespmem:s16+$0xFFFFFFF0];
	v1 =	vtrunc.f32 v2;
	v4 =	vcvt.f32.s32 v4  }
0x40: {  	v14 =	vld [tilespmem:s19+$0xFFFFFFF0];
	v19 =	vcvt.f32.s32 v12;
	v11 =	vcvt.f32.s32 v1  }
0x41: {  	s18 =	simm.s32 $0x8040;
	v12 =	vtrunc.f32 v13;
	v17 =	vtrunc.f32 v6;
	v2 =	vld [tilespmem:s16+$0xFFFFFFD0];
	vm11 =	vlt.s32 v4, $0x1FF  }
0x42: {  	v15 =	vld [tilespmem:s18+$0xFFFFFFC0];
	v7 =	vshll.u32 v7, $0x9;
	vm0 =	vlt.s32 v11, $0x1FF;
	v4 =	vnsel vm11, $0x1FF, v4  }
0x43: {  	v6 =	vld [tilespmem:s18+$0x30];
	v9 =	vshll.u32 v9, $0x9;
	v11 =	vnsel vm0, $0x1FF, v11;
	v7 =	vadd.s32 v4, v7  }
0x44: {  	v18 =	vld [tilespmem:s19+$0x0];
	v5 =	vtrunc.f32 v5;
	v3 =	vmul.f32 $5.120000000e+02, v3;
	v9 =	vadd.s32 v11, v9  }
0x45: {  	v8 =	vtrunc.f32 v10;
	v5 =	vcvt.f32.s32 v5;
	v1 =	vld [tilespmem:s18+$0xFFFFFFF0]  }
0x46: {  	v2 =	vmul.f32 $5.120000000e+02, v2;
	v3 =	vtrunc.f32 v3;
	v11 =	vld [tilespmem:s19+$0xFFFFFFE0]  }
0x47: {  	s17 =	simm.s32 $0xC000;
	v13 =	vtrunc.f32 v16;
	vm12 =	vlt.s32 v5, $0x1FF;
	v4 =	vld [tilespmem:s19+$0x10];
	v3 =	vcvt.f32.s32 v3  }
0x48: {  	v13 =	vcvt.f32.s32 v13;
	v10 =	vnsel vm12, $0x1FF, v5;
	v2 =	vtrunc.f32 v2;
	[tilespmem:v7+s17+$0x0] =	vst.idx.add.f32.msk $0xffff, v6  }
0x49: {  	v2 =	vcvt.f32.s32 v2;
	vm14 =	vlt.s32 v3, $0x1FF;
	[tilespmem:v9+s17+$0x0] =	vst.idx.add.f32.msk $0xffff, v15;
	v9 =	vtrunc.f32 v14  }
0x4a: {  	v6 =	vld [tilespmem:s18+$0xFFFFFFE0];
	v14 =	vcvt.f32.s32 v8;
	v15 =	vcvt.f32.s32 v9;
	v9 =	vshll.u32 v19, $0x9  }
0x4b: {  	vm13 =	vlt.s32 v2, $0x1FF;
	v7 =	vtrunc.f32 v11;
	v8 =	vld [tilespmem:s18+$0x20];
	v9 =	vadd.s32 v10, v9  }
0x4c: {  	v5 =	vnsel vm13, $0x1FF, v2;
	v2 =	vld [tilespmem:s18+$0x0];
	v19 =	vnsel vm14, $0x1FF, v3;
	vm15 =	vlt.s32 v14, $0x1FF  }
0x4d: {  	v3 =	vld [tilespmem:s18+$0x10];
	v16 =	vcvt.f32.s32 v7;
	v10 =	vshll.u32 v15, $0x9;
	v11 =	vnsel vm15, $0x1FF, v14  }
0x4e: {  	s20 =	simm.s32 $0x0;
	s21 =	simm.s32 $0x40C0;
	s19 =	simm.f32 $0.0e+00;
	v7 =	vld [tilespmem:s18+$0xFFFFFFD0];
	v14 =	vtrunc.f32 v18;
	v15 =	vcvt.f32.s32 v17;
	v10 =	vadd.s32 v19, v10  }
.LBB2_5:
0x4f: {  	v17 =	vld [tilespmem:s21+$0x30];
	s20 =	sadd.s32 $0x8, s20;
	v12 =	vcvt.f32.s32 v12;
	v4 =	vtrunc.f32 v4;
	s16 =	sadd.s32 $0x80, s16;
	s18 =	sadd.s32 $0x80, s18  }
0x50: {  	v16 =	vshll.u32 v16, $0x9;
	vm0 =	vlt.s32 v13, $0x1FF;
	p0 =	slt.u32 s20, $0x3F8;
	vm1 =	vlt.s32 v15, $0x1FF;
	[tilespmem:v9+s17+$0x0] =	vst.idx.add.f32.msk $0xffff, v8  }
0x51: {  	v4 =	vcvt.f32.s32 v4;
	v8 =	vld [tilespmem:s21+$0xFFFFFFC0];
	v9 =	vshll.u32 v12, $0x9;
	v12 =	vnsel vm1, $0x1FF, v15  }
0x52: {  	v15 =	vld [tilespmem:s16+$0xFFFFFFC0];
	v5 =	vadd.s32 v5, v9;
	v9 =	vnsel vm0, $0x1FF, v13;
	v13 =	vcvt.f32.s32 v14  }
0x53: {  	v11 =	vadd.s32 v11, v16;
	v4 =	vshll.u32 v4, $0x9;
	v14 =	vld [tilespmem:s16+$0x20]  }
0x54: {  	v4 =	vadd.s32 v12, v4;
	v16 =	vtrunc.f32 v17;
	[tilespmem:v10+s17+$0x0] =	vst.idx.add.f32.msk $0xffff, v1;
	v1 =	vshll.u32 v13, $0x9  }
0x55: {  	v10 =	vld [tilespmem:s16+$0x30];
	v12 =	vcvt.f32.s32 v16;
	v1 =	vadd.s32 v9, v1  }
0x56: {  	v9 =	vld [tilespmem:s16+$0x10]  }
0x57: {  	[tilespmem:v5+s17+$0x0] =	vst.idx.add.f32.msk $0xffff, v7  }
0x58: {  	[tilespmem:v11+s17+$0x0] =	vst.idx.add.f32.msk $0xffff, v6  }
0x59: {  	[tilespmem:v4+s17+$0x0] =	vst.idx.add.f32.msk $0xffff, v3  }
0x5a: {  	v3 =	vtrunc.f32 v8;
	[tilespmem:v1+s17+$0x0] =	vst.idx.add.f32.msk $0xffff, v2  }
0x5b: {  	v2 =	vcvt.f32.s32 v3;
	v3 =	vld [tilespmem:s16+$0x0]  }
0x5c: {  	v1 =	vmul.f32 $5.120000000e+02, v15;
	v4 =	vld [tilespmem:s16+$0xFFFFFFF0]  }
0x5d: {  	v6 =	vmul.f32 $5.120000000e+02, v10;
	v5 =	vld [tilespmem:s16+$0xFFFFFFE0]  }
0x5e: {  	v8 =	vmul.f32 $5.120000000e+02, v14;
	v1 =	vtrunc.f32 v1;
	v7 =	vld [tilespmem:s16+$0xFFFFFFD0]  }
0x5f: {  	v11 =	vshll.u32 v12, $0x9;
	v6 =	vtrunc.f32 v6;
	v10 =	vcvt.f32.s32 v1;
	v1 =	vld [tilespmem:s18+$0xFFFFFFF0]  }
0x60: {  	v8 =	vtrunc.f32 v8;
	v2 =	vshll.u32 v2, $0x9;
	v6 =	vcvt.f32.s32 v6;
	v12 =	vld [tilespmem:s21+$0x20]  }
0x61: {  	v9 =	vmul.f32 $5.120000000e+02, v9;
	vm0 =	vlt.s32 v10, $0x1FF;
	v13 =	vld [tilespmem:s21+$0xFFFFFFD0];
	v4 =	vmul.f32 $5.120000000e+02, v4  }
0x62: {  	v8 =	vcvt.f32.s32 v8;
	v10 =	vnsel vm0, $0x1FF, v10;
	v5 =	vmul.f32 $5.120000000e+02, v5;
	v14 =	vld [tilespmem:s21+$0xFFFFFFF0]  }
0x63: {  	vm0 =	vlt.s32 v6, $0x1FF;
	v2 =	vadd.s32 v10, v2;
	v15 =	vld [tilespmem:s18+$0xFFFFFFC0];
	v7 =	vmul.f32 $5.120000000e+02, v7  }
0x64: {  	v17 =	vtrunc.f32 v9;
	v10 =	vtrunc.f32 v4;
	v4 =	vnsel vm0, $0x1FF, v6;
	v9 =	vld [tilespmem:s18+$0x30]  }
0x65: {  	v11 =	vadd.s32 v4, v11;
	v6 =	vtrunc.f32 v7;
	v7 =	vld [tilespmem:s21+$0xFFFFFFE0];
	v12 =	vtrunc.f32 v12  }
0x66: {  	v3 =	vmul.f32 $5.120000000e+02, v3;
	vm0 =	vlt.s32 v8, $0x1FF;
	v6 =	vcvt.f32.s32 v6;
	v4 =	vld [tilespmem:s21+$0x10]  }
0x67: {  	v16 =	vtrunc.f32 v5;
	v19 =	vnsel vm0, $0x1FF, v8;
	v8 =	vcvt.f32.s32 v12;
	v18 =	vld [tilespmem:s21+$0x0]  }
0x68: {  	v10 =	vcvt.f32.s32 v10;
	[tilespmem:v2+s17+$0x0] =	vst.idx.add.f32.msk $0xffff, v15;
	vm0 =	vlt.s32 v6, $0x1FF;
	v2 =	vtrunc.f32 v14  }
0x69: {  	v14 =	vcvt.f32.s32 v16;
	v5 =	vnsel vm0, $0x1FF, v6;
	v6 =	vcvt.f32.s32 v2;
	v2 =	vld [tilespmem:s18+$0x0]  }
.Ltmp2:
0x6a: {  	v12 =	vtrunc.f32 v13;
	v13 =	vshll.u32 v8, $0x9;
	vm0 =	vlt.s32 v10, $0x1FF;
	[tilespmem:v11+s17+$0x0] =	vst.idx.add.f32.msk $0xffff, v9;
	(pc) =	sbr.rel @p0 .LBB2_5-.Ltmp2, $4  }
0x6b: {  	v7 =	vtrunc.f32 v7;
	v10 =	vnsel vm0, $0x1FF, v10;
	v9 =	vadd.s32 v19, v13;
	v8 =	vld [tilespmem:s18+$0x20]  }
0x6c: {  	vm0 =	vlt.s32 v14, $0x1FF;
	v13 =	vtrunc.f32 v3;
	v15 =	vshll.u32 v6, $0x9;
	v3 =	vld [tilespmem:s18+$0x10]  }
0x6d: {  	v11 =	vnsel vm0, $0x1FF, v14;
	v16 =	vcvt.f32.s32 v7;
	v13 =	vcvt.f32.s32 v13;
	v6 =	vld [tilespmem:s18+$0xFFFFFFE0]  }
0x6e: {  	s21 =	sadd.s32 $0x80, s21;
	v10 =	vadd.s32 v10, v15;
	v14 =	vtrunc.f32 v18;
	v15 =	vcvt.f32.s32 v17;
	v7 =	vld [tilespmem:s18+$0xFFFFFFD0]  }
0x6f: {  	v12 =	vcvt.f32.s32 v12  }
0x70: {  	v4 =	vtrunc.f32 v4;
	v16 =	vshll.u32 v16, $0x9  }
0x71: {  	v4 =	vcvt.f32.s32 v4;
	vm1 =	vlt.s32 v15, $0x1FF;
	v12 =	vshll.u32 v12, $0x9  }
0x72: {  	v11 =	vadd.s32 v11, v16;
	v5 =	vadd.s32 v5, v12;
	v12 =	vcvt.f32.s32 v14  }
0x73: {  	vm0 =	vlt.s32 v13, $0x1FF;
	v14 =	vnsel vm1, $0x1FF, v15;
	v4 =	vshll.u32 v4, $0x9  }
0x74: {  	v13 =	vnsel vm0, $0x1FF, v13;
	v4 =	vadd.s32 v14, v4;
	v12 =	vshll.u32 v12, $0x9  }
0x75: {  	[tilespmem:v9+s17+$0x0] =	vst.idx.add.f32.msk $0xffff, v8;
	v8 =	vadd.s32 v13, v12  }
0x76: {  	[tilespmem:v10+s17+$0x0] =	vst.idx.add.f32.msk $0xffff, v1  }
0x77: {  	[tilespmem:v11+s17+$0x0] =	vst.idx.add.f32.msk $0xffff, v6  }
0x78: {  	[tilespmem:v5+s17+$0x0] =	vst.idx.add.f32.msk $0xffff, v7  }
0x79: {  	[tilespmem:v4+s17+$0x0] =	vst.idx.add.f32.msk $0xffff, v3  }
0x7a: {  	s16 =	sand.u32 $0x1F0, s22;
	[tilespmem:v8+s17+$0x0] =	vst.idx.add.f32.msk $0xffff, v2  }
0x7b: {  	v1 =	vld [tilespmem:s16+$0xC200];
	_ =	sdelay $0x4  }
0x7c: {  	(xrf2) =	vadd.scan.msk.f32 $0xffff, v1;
	_ =	sdelay $0x5  }
0x7d: {  	s23 =	simm.s32 $0x10  }
0x7e: {  	s16 =	sand.u32 $0x1F0, s23  }
0x7f: {  	s18 =	simm.s32 $0x20;
	v4 =	vld [tilespmem:s16+$0xC200]  }
0x80: {  	s25 =	simm.s32 $0x30;
	s24 =	sand.u32 $0x1F0, s18  }
0x81: {  	s26 =	sand.u32 $0x1F0, s25;
	v5 =	vld [tilespmem:s24+$0xC200];
	v2, _, _ =	vpop (xrf2)  }
0x82: {  	v7 =	vld [tilespmem:s26+$0xC200];
	(v2sf) =	vpush v2, $0xF;
	_ =	sdelay $0x1  }
0x83: {  	(xrf2) =	vadd.scan.msk.f32 $0xffff, v4;
	_ =	sdelay $0x1  }
0x84: {  	(xrf2) =	vadd.scan.msk.f32 $0xffff, v5  }
0x85: {  	(xrf2) =	vadd.scan.msk.f32 $0xffff, v7;
	_ =	sdelay $0x5  }
0x86: {  	v8 =	vmul.f32 $-5.000000000e-01, v1  }
0x87: {  	v12, _, _ =	vpop (xrf2)  }
0x88: {  	s28 =	simm.s32 $0x40;
	v2 =	vadd.f32 s19, v2;
	(v2sf) =	vpush v12, $0xF  }
0x89: {  	s16 =	sand.u32 $0x1F0, s28;
	v1 =	vmul.f32 $-5.000000000e-01, v7;
	v7, _, _ =	vpop (xrf2)  }
0x8a: {  	v9 =	vld [tilespmem:s16+$0xC200];
	v13 =	vadd.f32 v8, v2;
	v8, _, _ =	vpop (xrf2);
	s30 =	spop (v2sf);
	(v2sf) =	vpush v7, $0xF  }
0x8b: {  	(v2sf) =	vpush v8, $0xF;
	_ =	sdelay $0x2  }
0x8c: {  	s29 =	simm.s32 $0x50;
	v10 =	vld [tilespmem:s17+$0x0]  }
0x8d: {  	s31 =	sand.u32 $0x1F0, s29;
	(xrf2) =	vadd.scan.msk.f32 $0xffff, v9  }
0x8e: {  	v6 =	vmul.f32 $-5.000000000e-01, v4;
	v4 =	vmul.f32 $-5.000000000e-01, v5;
	v5 =	vld [tilespmem:s31+$0xC200];
	_ =	sdelay $0x1  }
0x8f: {  	v3 =	vimm.f32 $0.0e+00;
	s17 =	simm.s32 $0xC010;
	s16 =	sadd.f32 s30, s19  }
0x90: {  	v11 =	vadd.f32 v10, v3;
	v2 =	vmul.f32 $-5.000000000e-01, v9;
	v10 =	vmul.f32 v13, v10;
	v9 =	vld [tilespmem:s17+$0x0]  }
0x91: {  	s18 =	simm.s32 $0x60;
	v12 =	vadd.f32 s16, v12  }
.LBB2_7:
0x92: {  	s19 =	sand.u32 $0x1F0, s18;
	p0 =	sne.s32 s18, $0x1F0;
	s18 =	sadd.s32 $0x10, s18;
	v13 =	vmul.f32 $-5.000000000e-01, v5;
	(xrf2) =	vadd.scan.msk.f32 $0xffff, v5;
	v3 =	vadd.f32 v10, v3  }
.Ltmp3:
0x93: {  	v5 =	vld [tilespmem:s19+$0xC200];
	v10 =	vadd.f32 v6, v12;
	v6 =	vmovc v4;
	v4 =	vmov v1;
	v1 =	vmov v2;
	(pc) =	sbr.rel @p0 .LBB2_7-.Ltmp3, $4  }
0x94: {  	s19 =	spop (v2sf);
	v2 =	vmov v13  }
0x95: {  	s17 =	sadd.s32 $0x10, s17;
	v10 =	vmul.f32 v10, v9;
	s16 =	sadd.f32 s19, s16;
	v11 =	vadd.f32 v9, v11  }
0x96: {  	v13, _, _ =	vpop (xrf2);
	v9 =	vld [tilespmem:s17+$0x0]  }
0x97: {  	(v2sf) =	vpush v13, $0xF;
	v12 =	vadd.f32 s16, v7;
	v7 =	vmovc v8;
	v8 =	vmov v13  }
0x98: {  	_ =	sdelay $0x3  }
0x99: {  	v13, _, _ =	vpop (xrf2)  }
0x9a: {  	(xrf2) =	vadd.scan.msk.f32 $0xffff, v5;
	(v2sf) =	vpush v13, $0xF;
	_ =	sdelay $0x1  }
0x9b: {  	s17 =	sadd.s32 $0x10, s17  }
0x9c: {  	v14 =	vld [tilespmem:s17+$0x0]  }
0x9d: {  	s17 =	sadd.s32 $0x10, s17  }
0x9e: {  	v15 =	vld [tilespmem:s17+$0x0]  }
0x9f: {  	s17 =	sadd.s32 $0x10, s17;
	v11 =	vadd.f32 v9, v11  }
0xa0: {  	v16 =	vld [tilespmem:s17+$0x0]  }
0xa1: {  	s18 =	spop (v2sf);
	s17 =	sadd.s32 $0x10, s17;
	v11 =	vadd.f32 v14, v11  }
0xa2: {  	s16 =	sadd.f32 s18, s16;
	v17 =	vld [tilespmem:s17+$0x0]  }
0xa3: {  	v6 =	vadd.f32 v6, v12;
	v11 =	vadd.f32 v15, v11;
	v58, _, _ =	vpop (xrf2)  }
0xa4: {  	s28 =	spop (v2sf);
	v7 =	vadd.f32 s16, v7;
	(v2sf) =	vpush v58, $0xF  }
0xa5: {  	s16 =	sadd.f32 s28, s16;
	v11 =	vadd.f32 v16, v11  }
0xa6: {  	v3 =	vadd.f32 v10, v3;
	v6 =	vmul.f32 v6, v9;
	v4 =	vadd.f32 v4, v7;
	s29 =	spop (v2sf)  }
0xa7: {  	v59 =	vadd.f32 s16, v8;
	v60 =	vadd.f32 v17, v11;
	s16 =	sadd.f32 s29, s16  }
0xa8: {  	v3 =	vadd.f32 v6, v3;
	v4 =	vmul.f32 v4, v14;
	s30 =	spop (v2sf)  }
0xa9: {  	v1 =	vadd.f32 v1, v59;
	(xrf2) =	vadd.scan.msk.f32 $0xffff, v60;
	v61 =	vadd.f32 s16, v13;
	s16 =	sadd.f32 s30, s16  }
0xaa: {  	v62 =	vmul.f32 $-5.000000000e-01, v5;
	v3 =	vadd.f32 v4, v3  }
0xab: {  	v1 =	vmul.f32 v1, v15;
	v2 =	vadd.f32 v2, v61;
	v63 =	vadd.f32 s16, v58;
	_ =	sdelay $0x1  }
0xac: {  	v1 =	vadd.f32 v1, v3;
	v2 =	vmul.f32 v2, v16;
	v3 =	vadd.f32 v62, v63;
	_ =	sdelay $0x1  }
0xad: {  	v1 =	vadd.f32 v2, v1;
	v2 =	vmul.f32 v3, v17;
	_ =	sdelay $0x1  }
0xae: {  	v1 =	vadd.f32 v2, v1;
	_ =	sdelay $0x1  }
0xaf: {  	s31 =	spop (v2sf);
	v2, _, _ =	vpop (xrf2);
	(xrf2) =	vadd.scan.msk.f32 $0xffff, v1  }
0xb0: {  	s16 =	sadd.f32 s31, s16;
	v1 =	vbroadcast v2, $0xF;
	_ =	sdelay $0x1  }
0xb1: {  	v1 =	vmul.f32 s16, v1;
	_ =	sdelay $0x1  }
0xb2: {  	(erf) = vrcp.f32 v1;
	_ =	sdelay $0x4  }
0xb3: {  	v2, _, _ =	vpop (xrf2)  }
0xb4: {  	v2 =	vbroadcast v2, $0xF;
	_ =	sdelay $0x1  }
0xb5: {  	v2 =	vsub.f32 v1, v2  }
0xb6: {  	v3 =	vpop (erf)  }
0xb7: {  	v2 =	vmul.f32 v3, v2  }
0xb8: {  	s15 =	sadd.s32 $0x1, s15;
	vm0 =	veq.f32 v1, $0.0e+00  }
0xb9: {  	p0 =	sne.s32 s15, s7;
	v1 =	vsel vm0, $0x3F000000, v2  }
.Ltmp4:
0xba: {  	[tilespmem:$0xC400] =	vst v1;
	(pc) =	sbr.rel @p0 .LBB2_2-.Ltmp4, $4  }
0xbb: {  	[hbm4b:s3+s2] =	stream.linear.scatter [tilespmem:s13], [sflag:$0x2], $0x80, $0x38;
	[tilespmem:$0xC480] =	vst v63  }
0xbc: {  	_ =	swait.ge [sflag:s14], $0x80  }
0xbd: {  	[sflag:s14] =	ssyncset.done $0x0  }
0xbe: {  	[sflag:s14] =	ssyncadd.s32 $0xFFFFFF80  }
.LBB2_9:
0xbf: {  	_ =	sfence.sel $0x180000  }
0xc0: {  	[bflag:$0x0] =	sbarrier.arrive $0xFFFF  }
0xc1: {  	p0 =	sne.s32 s1, $0x0;
	_ =	strace $0x90000047  }
0xc2: {  	s0 =	sadd.s32 @!p0 $0x100000, s0;
	[bflag:$0x2] =	sbarrier.arrive $0xFFFF  }
0xc3: {  	[sflag:s0] =	ssyncadd.tile.s32 @!p0 $0x1;
	_ =	shalt  }
.Lfunc_end2:
_tile_overlayer_lowered:
.L_overlay_start_2:
0xc4: {  	(tag) =	ssettag $0x2  }
0xc5: {  	s0 =	rddreg [dreg:$0x0];
	s2 =	stileid.u32  }
0xc6: {  	s1 =	rddreg [dreg:$0x1];
	p0 =	sne.s32 s2, $0x0  }
0xc7: {  	s3 =	rddreg [dreg:$0x2];
	[bflag:$0x3] =	sbarrier.arrive $0xFFFF;
	s2 =	simm.s32 @!p0 $0x1C02  }
0xc8: {  	[timem:s3], [sflag:s2] =	dma.local @!p0 [hbm:s0], s1  }
0xc9: {  	s0 =	simm.s32 @!p0 $0x2  }
0xca: {  	_ =	swait.ge @!p0 [sflag:s0], s1  }
0xcb: {  	s1 =	ssub.s32 @!p0 $0x0, s1;
	[sflag:s0] =	ssyncset.done @!p0 $0x0  }
0xcc: {  	[sflag:s0] =	ssyncadd.s32 @!p0 s1  }
0xcd: {  	[bflag:$0x3] =	sbarrier.arrive $0xFFFF  }
0xce: {  	_ =	shalt  }

</sc_bundles>
